<compile_context>
chip_gen: v7x
topology: tpu7x:2x2x1
jax: 0.10.2.dev20260603
libtpu: 0.0.44.dev20260713+nightly
codegen_flags: <defaults>
</compile_context>

<pallas_src>
import functools

import jax
import jax.numpy as jnp
from jax import lax
from jax.experimental import pallas as pl
from jax.experimental.pallas import tpu as pltpu
from jax.experimental.pallas import tpu_sc as plsc

_SC_ROWS = 1024


def _tc_copy_block(t_ref, o_ref):
    o_ref[...] = t_ref[...]


def kernel(x, table):
    seq = x.shape[1]
    emb = table.shape[1]
    info = plsc.get_sparse_core_info()
    nc = info.num_cores
    sc_rows = _SC_ROWS
    rows_per_c = sc_rows // nc
    chunk = min(256, rows_per_c)
    nchunks = rows_per_c // chunk
    mesh = plsc.ScalarSubcoreMesh(axis_name="c")

    @functools.partial(
        pl.kernel,
        out_type=jax.ShapeDtypeStruct((sc_rows, emb), table.dtype),
        mesh=mesh,
        scratch_types=[
            pltpu.VMEM_SHARED((nchunks, chunk, emb), jnp.float32),
            pltpu.SemaphoreType.DMA,
            pltpu.SemaphoreType.DMA,
        ],
    )
    def sc_copy(table_hbm, out_hbm, buf, in_sem, out_sem):
        cid = lax.axis_index("c")
        base = cid * rows_per_c

        def in_copy(i):
            return pltpu.make_async_copy(
                table_hbm.at[pl.ds(base + i * chunk, chunk)], buf.at[i], in_sem
            )

        def out_copy(i):
            return pltpu.make_async_copy(
                buf.at[i], out_hbm.at[pl.ds(base + i * chunk, chunk)], out_sem
            )

        for i in range(nchunks):
            in_copy(i).start()
        for i in range(nchunks):
            in_copy(i).wait()
            out_copy(i).start()
        for i in range(nchunks):
            out_copy(i).wait()

    sc_part = sc_copy(table)

    tc_rows = seq - sc_rows
    block = sc_rows
    tc_out = pl.pallas_call(
        _tc_copy_block,
        grid=(tc_rows // block,),
        in_specs=[pl.BlockSpec((block, emb), lambda i: (i + 1, 0))],
        out_specs=pl.BlockSpec((block, emb), lambda i: (i + 1, 0)),
        out_shape=jax.ShapeDtypeStruct((seq, emb), table.dtype),
    )(table)

    tc_out, sc_part = lax.optimization_barrier((tc_out, sc_part))
    out = lax.dynamic_update_slice(tc_out, sc_part, (0, 0))
    return out[None, :, :]

# --- scband reference (transcript-rebuilt; emitter-appended) ---
"""Pipeline reference for scband-position-embedding-34419867910493 (READ-ONLY COPY).

The authoritative reference and input builder live on the scoring server;
editing this copy changes nothing except your own understanding.
"""

import jax, jax.numpy as jnp
import numpy as np


def setup_inputs(seed: int = 0) -> dict:
    key = jax.random.key(seed)
    k1, k2 = jax.random.split(key)
    x = jax.random.normal(k1, (2, 4096, 1024), dtype=jnp.float32)
    # learned position embedding table sized per init_kwargs
    table = jax.random.normal(k2, (4096, 1024), dtype=jnp.float32) * 0.02
    return {"x": x, "table": table}


def reference(x, table):
    # torch: range_lookup = arange(x.shape[1]); emb(range_lookup).unsqueeze(0)
    range_lookup = jnp.arange(x.shape[1])
    out = jnp.take(table, range_lookup, axis=0)
    return out[None, :, :]

if __name__ == "__main__":
    import jax
    _d = setup_inputs()
    print(jax.jit(kernel)(*tuple(_d.values())))

</pallas_src>

<mosaic_0001>
#map = affine_map<(d0) -> (0, 0)>
module attributes {stable_mosaic.version = 14 : i64} {
  func.func @sc_copy(%arg0: i32, %arg1: memref<4096x1024xf32, #tpu.memory_space<hbm>>, %arg2: memref<1024x1024xf32, #tpu.memory_space<hbm>>, %arg3: memref<2x256x1024xf32, #tpu.memory_space<vmem_shared>>, %arg4: memref<!tpu.dma_semaphore, #tpu.memory_space<semaphore_mem>>, %arg5: memref<!tpu.dma_semaphore, #tpu.memory_space<semaphore_mem>>) attributes {dimension_semantics = [#tpu.dimension_semantics<core_parallel>], iteration_bounds = array<i64: 2>, scalar_prefetch = 0 : i64, scratch_operands = 3 : i64, tpu.core_type = #tpu.core_type<sc_scalar_subcore>, window_params = [{transform_indices = #map}, {transform_indices = #map}]} {
    %mul3A = arith.constant 512 : i32
    %mul3A_0 = arith.muli %arg0, %mul3A : i32
    %add3A = arith.constant 0 : i32
    %add3A_1 = arith.addi %mul3A_0, %add3A : i32
    %dma_start3A = arith.constant 0 : i32
    %dma_start3A_2 = arith.constant 0 : i32
    %dma_start3A_3 = arith.constant 0 : i32
    %dma_start3A_4 = tpu.memref_slice %arg3[%dma_start3A, %dma_start3A_2, %dma_start3A_3] : memref<2x256x1024xf32, #tpu.memory_space<vmem_shared>> -> memref<1x256x1024xf32, #tpu.memory_space<vmem_shared>>
    %dma_start3A_5 = tpu.memref_squeeze %dma_start3A_4 : memref<1x256x1024xf32, #tpu.memory_space<vmem_shared>> -> memref<256x1024xf32, #tpu.memory_space<vmem_shared>>
    %dma_start3A_6 = arith.constant 0 : i32
    %dma_start3A_7 = tpu.memref_slice %arg1[%add3A_1, %dma_start3A_6] : memref<4096x1024xf32, #tpu.memory_space<hbm>> -> memref<256x1024xf32, #tpu.memory_space<hbm>>
    tpu.enqueue_dma source(%dma_start3A_7 : memref<256x1024xf32, #tpu.memory_space<hbm>>) target(%dma_start3A_5 : memref<256x1024xf32, #tpu.memory_space<vmem_shared>>) target_semaphore(%arg4 : memref<!tpu.dma_semaphore, #tpu.memory_space<semaphore_mem>>)
    %add3A_8 = arith.constant 256 : i32
    %add3A_9 = arith.addi %mul3A_0, %add3A_8 : i32
    %dma_start3A_10 = arith.constant 1 : i32
    %dma_start3A_11 = arith.constant 0 : i32
    %dma_start3A_12 = arith.constant 0 : i32
    %dma_start3A_13 = tpu.memref_slice %arg3[%dma_start3A_10, %dma_start3A_11, %dma_start3A_12] : memref<2x256x1024xf32, #tpu.memory_space<vmem_shared>> -> memref<1x256x1024xf32, #tpu.memory_space<vmem_shared>>
    %dma_start3A_14 = tpu.memref_squeeze %dma_start3A_13 : memref<1x256x1024xf32, #tpu.memory_space<vmem_shared>> -> memref<256x1024xf32, #tpu.memory_space<vmem_shared>>
    %dma_start3A_15 = arith.constant 0 : i32
    %dma_start3A_16 = tpu.memref_slice %arg1[%add3A_9, %dma_start3A_15] : memref<4096x1024xf32, #tpu.memory_space<hbm>> -> memref<256x1024xf32, #tpu.memory_space<hbm>>
    tpu.enqueue_dma source(%dma_start3A_16 : memref<256x1024xf32, #tpu.memory_space<hbm>>) target(%dma_start3A_14 : memref<256x1024xf32, #tpu.memory_space<vmem_shared>>) target_semaphore(%arg4 : memref<!tpu.dma_semaphore, #tpu.memory_space<semaphore_mem>>)
    %add3A_17 = arith.constant 0 : i32
    %add3A_18 = arith.addi %mul3A_0, %add3A_17 : i32
    %dma_wait3A = arith.constant 0 : i32
    %dma_wait3A_19 = arith.constant 0 : i32
    %dma_wait3A_20 = arith.constant 0 : i32
    %dma_wait3A_21 = tpu.memref_slice %arg3[%dma_wait3A, %dma_wait3A_19, %dma_wait3A_20] : memref<2x256x1024xf32, #tpu.memory_space<vmem_shared>> -> memref<1x256x1024xf32, #tpu.memory_space<vmem_shared>>
    %dma_wait3A_22 = tpu.memref_squeeze %dma_wait3A_21 : memref<1x256x1024xf32, #tpu.memory_space<vmem_shared>> -> memref<256x1024xf32, #tpu.memory_space<vmem_shared>>
    %dma_wait3A_23 = arith.constant 0 : i32
    %dma_wait3A_24 = tpu.memref_slice %arg1[%add3A_18, %dma_wait3A_23] : memref<4096x1024xf32, #tpu.memory_space<hbm>> -> memref<256x1024xf32, #tpu.memory_space<hbm>>
    tpu.wait_dma2 semaphore(%arg4 : memref<!tpu.dma_semaphore, #tpu.memory_space<semaphore_mem>>) src(%dma_wait3A_24 : memref<256x1024xf32, #tpu.memory_space<hbm>>) dst(%dma_wait3A_22 : memref<256x1024xf32, #tpu.memory_space<vmem_shared>>)
    %add3A_25 = arith.constant 0 : i32
    %add3A_26 = arith.addi %mul3A_0, %add3A_25 : i32
    %dma_start3A_27 = arith.constant 0 : i32
    %dma_start3A_28 = arith.constant 0 : i32
    %dma_start3A_29 = tpu.memref_slice %arg2[%add3A_26, %dma_start3A_28] : memref<1024x1024xf32, #tpu.memory_space<hbm>> -> memref<256x1024xf32, #tpu.memory_space<hbm>>
    %dma_start3A_30 = arith.constant 0 : i32
    %dma_start3A_31 = arith.constant 0 : i32
    %dma_start3A_32 = tpu.memref_slice %arg3[%dma_start3A_27, %dma_start3A_30, %dma_start3A_31] : memref<2x256x1024xf32, #tpu.memory_space<vmem_shared>> -> memref<1x256x1024xf32, #tpu.memory_space<vmem_shared>>
    %dma_start3A_33 = tpu.memref_squeeze %dma_start3A_32 : memref<1x256x1024xf32, #tpu.memory_space<vmem_shared>> -> memref<256x1024xf32, #tpu.memory_space<vmem_shared>>
    tpu.enqueue_dma source(%dma_start3A_33 : memref<256x1024xf32, #tpu.memory_space<vmem_shared>>) target(%dma_start3A_29 : memref<256x1024xf32, #tpu.memory_space<hbm>>) target_semaphore(%arg5 : memref<!tpu.dma_semaphore, #tpu.memory_space<semaphore_mem>>)
    %add3A_34 = arith.constant 256 : i32
    %add3A_35 = arith.addi %mul3A_0, %add3A_34 : i32
    %dma_wait3A_36 = arith.constant 1 : i32
    %dma_wait3A_37 = arith.constant 0 : i32
    %dma_wait3A_38 = arith.constant 0 : i32
    %dma_wait3A_39 = tpu.memref_slice %arg3[%dma_wait3A_36, %dma_wait3A_37, %dma_wait3A_38] : memref<2x256x1024xf32, #tpu.memory_space<vmem_shared>> -> memref<1x256x1024xf32, #tpu.memory_space<vmem_shared>>
    %dma_wait3A_40 = tpu.memref_squeeze %dma_wait3A_39 : memref<1x256x1024xf32, #tpu.memory_space<vmem_shared>> -> memref<256x1024xf32, #tpu.memory_space<vmem_shared>>
    %dma_wait3A_41 = arith.constant 0 : i32
    %dma_wait3A_42 = tpu.memref_slice %arg1[%add3A_35, %dma_wait3A_41] : memref<4096x1024xf32, #tpu.memory_space<hbm>> -> memref<256x1024xf32, #tpu.memory_space<hbm>>
    tpu.wait_dma2 semaphore(%arg4 : memref<!tpu.dma_semaphore, #tpu.memory_space<semaphore_mem>>) src(%dma_wait3A_42 : memref<256x1024xf32, #tpu.memory_space<hbm>>) dst(%dma_wait3A_40 : memref<256x1024xf32, #tpu.memory_space<vmem_shared>>)
    %add3A_43 = arith.constant 256 : i32
    %add3A_44 = arith.addi %mul3A_0, %add3A_43 : i32
    %dma_start3A_45 = arith.constant 1 : i32
    %dma_start3A_46 = arith.constant 0 : i32
    %dma_start3A_47 = tpu.memref_slice %arg2[%add3A_44, %dma_start3A_46] : memref<1024x1024xf32, #tpu.memory_space<hbm>> -> memref<256x1024xf32, #tpu.memory_space<hbm>>
    %dma_start3A_48 = arith.constant 0 : i32
    %dma_start3A_49 = arith.constant 0 : i32
    %dma_start3A_50 = tpu.memref_slice %arg3[%dma_start3A_45, %dma_start3A_48, %dma_start3A_49] : memref<2x256x1024xf32, #tpu.memory_space<vmem_shared>> -> memref<1x256x1024xf32, #tpu.memory_space<vmem_shared>>
    %dma_start3A_51 = tpu.memref_squeeze %dma_start3A_50 : memref<1x256x1024xf32, #tpu.memory_space<vmem_shared>> -> memref<256x1024xf32, #tpu.memory_space<vmem_shared>>
    tpu.enqueue_dma source(%dma_start3A_51 : memref<256x1024xf32, #tpu.memory_space<vmem_shared>>) target(%dma_start3A_47 : memref<256x1024xf32, #tpu.memory_space<hbm>>) target_semaphore(%arg5 : memref<!tpu.dma_semaphore, #tpu.memory_space<semaphore_mem>>)
    %add3A_52 = arith.constant 0 : i32
    %add3A_53 = arith.addi %mul3A_0, %add3A_52 : i32
    %dma_wait3A_54 = arith.constant 0 : i32
    %dma_wait3A_55 = arith.constant 0 : i32
    %dma_wait3A_56 = tpu.memref_slice %arg2[%add3A_53, %dma_wait3A_55] : memref<1024x1024xf32, #tpu.memory_space<hbm>> -> memref<256x1024xf32, #tpu.memory_space<hbm>>
    %dma_wait3A_57 = arith.constant 0 : i32
    %dma_wait3A_58 = arith.constant 0 : i32
    %dma_wait3A_59 = tpu.memref_slice %arg3[%dma_wait3A_54, %dma_wait3A_57, %dma_wait3A_58] : memref<2x256x1024xf32, #tpu.memory_space<vmem_shared>> -> memref<1x256x1024xf32, #tpu.memory_space<vmem_shared>>
    %dma_wait3A_60 = tpu.memref_squeeze %dma_wait3A_59 : memref<1x256x1024xf32, #tpu.memory_space<vmem_shared>> -> memref<256x1024xf32, #tpu.memory_space<vmem_shared>>
    tpu.wait_dma2 semaphore(%arg5 : memref<!tpu.dma_semaphore, #tpu.memory_space<semaphore_mem>>) src(%dma_wait3A_60 : memref<256x1024xf32, #tpu.memory_space<vmem_shared>>) dst(%dma_wait3A_56 : memref<256x1024xf32, #tpu.memory_space<hbm>>)
    %add3A_61 = arith.constant 256 : i32
    %add3A_62 = arith.addi %mul3A_0, %add3A_61 : i32
    %dma_wait3A_63 = arith.constant 1 : i32
    %dma_wait3A_64 = arith.constant 0 : i32
    %dma_wait3A_65 = tpu.memref_slice %arg2[%add3A_62, %dma_wait3A_64] : memref<1024x1024xf32, #tpu.memory_space<hbm>> -> memref<256x1024xf32, #tpu.memory_space<hbm>>
    %dma_wait3A_66 = arith.constant 0 : i32
    %dma_wait3A_67 = arith.constant 0 : i32
    %dma_wait3A_68 = tpu.memref_slice %arg3[%dma_wait3A_63, %dma_wait3A_66, %dma_wait3A_67] : memref<2x256x1024xf32, #tpu.memory_space<vmem_shared>> -> memref<1x256x1024xf32, #tpu.memory_space<vmem_shared>>
    %dma_wait3A_69 = tpu.memref_squeeze %dma_wait3A_68 : memref<1x256x1024xf32, #tpu.memory_space<vmem_shared>> -> memref<256x1024xf32, #tpu.memory_space<vmem_shared>>
    tpu.wait_dma2 semaphore(%arg5 : memref<!tpu.dma_semaphore, #tpu.memory_space<semaphore_mem>>) src(%dma_wait3A_69 : memref<256x1024xf32, #tpu.memory_space<vmem_shared>>) dst(%dma_wait3A_65 : memref<256x1024xf32, #tpu.memory_space<hbm>>)
    return
  }
}

module attributes {stable_mosaic.version = 14 : i64} {
  func.func @_tc_copy_block(%arg0: i32, %arg1: memref<1024x1024xf32, #tpu.memory_space<vmem>>, %arg2: memref<1024x1024xf32, #tpu.memory_space<vmem>>) attributes {dimension_semantics = [#tpu.dimension_semantics<arbitrary>], iteration_bounds = array<i64: 3>, scalar_prefetch = 0 : i64, scratch_operands = 0 : i64, tpu.core_type = #tpu.core_type<tc>, window_params = [{transform_indices = @transform_0, window_bounds = array<i64: 1024, 1024>}, {transform_indices = @transform_1, window_bounds = array<i64: 1024, 1024>}]} {
    %get3A = arith.constant 0 : index
    %get3A_0 = arith.constant 0 : index
    %get3A_1 = vector.load %arg1[%get3A, %get3A_0] : memref<1024x1024xf32, #tpu.memory_space<vmem>>, vector<1024x1024xf32>
    %swap3A = arith.constant 0 : index
    %swap3A_2 = arith.constant 0 : index
    %swap3A_3 = vector.load %arg2[%swap3A, %swap3A_2] : memref<1024x1024xf32, #tpu.memory_space<vmem>>, vector<1024x1024xf32>
    tpu.vector_store %arg2[%swap3A, %swap3A_2], %get3A_1 {strides = array<i32>} : memref<1024x1024xf32, #tpu.memory_space<vmem>>, vector<1024x1024xf32>,
    return
  }
  func.func @transform_0(%arg0: i32) -> (i32, i32) {
    %add3A = arith.constant 1 : i32
    %add3A_0 = arith.addi %arg0, %add3A : i32
    %c0_i32 = arith.constant 0 : i32
    %c0_i32_1 = arith.constant 0 : i32
    return %add3A_0, %c0_i32 : i32, i32
  }
  func.func @transform_1(%arg0: i32) -> (i32, i32) {
    %add3A = arith.constant 1 : i32
    %add3A_0 = arith.addi %arg0, %add3A : i32
    %c0_i32 = arith.constant 0 : i32
    %c0_i32_1 = arith.constant 0 : i32
    return %add3A_0, %c0_i32 : i32, i32
  }
}

</mosaic_0001>

<sc_bundles>
// kernel: kernel.4.cloned.1.call-start
scs
__scs_entry_jumppad:
0x0: {  	(pc) =	sbr.rel $0x88, $3  }
0x1: {  	(tag) =	ssettag $0x0;
	lr =	simm.s32 $0x1  }
0x2: {  	[smem:$0x3FA0] =	sst lr;
	_ =	strace $0xD0000000  }
0x3: {  	_ = 	snop  }
0x4: {  	_ = 	snop  }
0x5: {  	_ = 	snop  }
0x6: {  	_ = 	snop  }
0x7: {  	_ = 	snop  }
__scs_overlays_trampoline_lowered:
0x8: {  	[smem:$0x3FAF] =	sst s0  }
0x9: {  	[smem:$0x3FB0] =	sst s1  }
0xa: {  	[smem:$0x3FB1] =	sst s2  }
0xb: {  	[smem:$0x3FB2] =	sst s3  }
0xc: {  	[smem:$0x3FB3] =	sst s4  }
0xd: {  	[smem:$0x3FB4] =	sst s5  }
0xe: {  	[smem:$0x3FB5] =	sst s6  }
0xf: {  	[smem:$0x3FB6] =	sst s7  }
0x10: {  	[smem:$0x3FB7] =	sst s8  }
0x11: {  	[smem:$0x3FB8] =	sst s9;
	s0 =	simm.s32 @!p0 $0x0  }
0x12: {  	s1 =	sld [smem:$0x3F9E];
	s0 =	simm.s32 @p0 $0x1  }
0x13: {  	[smem:$0x3FB9] =	sst s0;
	s0 =	simm.s32 @!p1 $0x0  }
0x14: {  	s2 =	sld [smem:$0x3F9D];
	s0 =	simm.s32 @p1 $0x1  }
0x15: {  	[smem:$0x3FBA] =	sst s0;
	s0 =	simm.s32 @!p2 $0x0  }
0x16: {  	s3 =	sld [smem:$0x3FDB];
	s0 =	simm.s32 @p2 $0x1  }
0x17: {  	s4 =	simm.s32 $0x1BF5;
	[smem:$0x3FBC] =	sst s0  }
0x18: {  	s0 =	sld [smem:$0x3F9F];
	_ =	swait.ge [sflag:s4], $0x0  }
0x19: {  	s7 =	sld [smem:$0x3FA0]  }
0x1a: {  	s8 =	sadd.s32 $0xFFFFE003, lr  }
0x1b: {  	s9 =	sadd.s32 $0xFFFFFEF7, lr;
	s5 =	simm.s32 $0xFFFFFFFF;
	p2 =	slt.u32 s8, $0xFFFFF086  }
0x1c: {  	p1 =	slt.u32 s9, $0xF7A;
	s5 =	simm.s32 @!p2 $0x0  }
0x1d: {  	s5 =	simm.s32 @p1 $0x1;
	p0 =	seq.s32 s7, s2  }
0x1e: {  	s7 =	smul.u32 @!p0 $0xF7A, s2;
	p2 =	seq.s32 @!p0 s5, $0x0  }
0x1f: {  	s9 =	smul.u32 $0xF7A, s1;
	s8 =	simm.s32 @!p0 $0x1BF5;
	p2 =	por !p2, p0  }
0x20: {  	[sflag:s8] =	ssyncset.s32 @!p0 $0xFFFFF086;
	s6 =	sadd.s32 @!p0 s3, s7;
	s7 =	simm.s32 @!p0 $0x108  }
0x21: {  	s3 =	sadd.s32 s3, s9;
	s6 =	sadd.s32 @!p0 $0x88, s6;
	s7 =	simm.s32 @p2 $0x1082  }
0x22: {  	[simem:s7], [sflag:s8] =	dma.local @!p0 [hbm:s6], $0xF7A  }
0x23: {  	s9 =	sor.u32 $0xD0000000, s2;
	s6 =	simm.s32 $0x108;
	_ =	swait.ge @!p0 [sflag:s8], $0x0  }
0x24: {  	s3 =	sadd.s32 $0x88, s3;
	s6 =	simm.s32 @!p1 $0x1082;
	[sflag:s4] =	ssyncset.s32 $0xFFFFF086  }
0x25: {  	[simem:s6], [sflag:s4] =	dma.local [hbm:s3], $0xF7A  }
0x26: {  	[smem:$0x3FA0] =	sst s1;
	(tag) =	ssettag s2;
	_ =	strace s9  }
0x27: {  	s1 =	sld [smem:$0x3FB0]  }
0x28: {  	s2 =	sld [smem:$0x3FB1]  }
0x29: {  	s4 =	sld [smem:$0x3FB3]  }
0x2a: {  	p0 =	seq.s32 s5, $0x0;
	s5 =	sld [smem:$0x3FB4]  }
0x2b: {  	s6 =	sld [smem:$0x3FB5]  }
0x2c: {  	s7 =	sld [smem:$0x3FB6]  }
0x2d: {  	s3 =	simm.s32 $0x108;
	s8 =	sld [smem:$0x3FB7]  }
0x2e: {  	s3 =	simm.s32 @!p0 $0x1082;
	s9 =	sld [smem:$0x3FB8]  }
0x2f: {  	lr =	sadd.s32 s0, s3;
	s0 =	sld [smem:$0x3FAF]  }
0x30: {  	s3 =	sld [smem:$0x3FB2]  }
0x31: {  	[smem:$0x3FBB] =	sst s10  }
0x32: {  	s10 =	sld [smem:$0x3FB9];
	_ =	sdelay $0x3  }
0x33: {  	p0 =	seq.s32 s10, $0x1;
	s10 =	sld [smem:$0x3FBB];
	_ =	sdelay $0x3  }
0x34: {  	[smem:$0x3FBB] =	sst s10  }
0x35: {  	s10 =	sld [smem:$0x3FBA];
	_ =	sdelay $0x3  }
0x36: {  	p1 =	seq.s32 s10, $0x1;
	s10 =	sld [smem:$0x3FBB];
	_ =	sdelay $0x3  }
0x37: {  	[smem:$0x3FBB] =	sst s10  }
0x38: {  	s10 =	sld [smem:$0x3FBC]  }
0x39: {  	_ = 	snop;
	(pc) =	sbr.ind lr, $3  }
0x3a: {  	_ = 	snop  }
0x3b: {  	_ = 	snop  }
0x3c: {  	p2 =	seq.s32 s10, $0x1;
	s10 =	sld [smem:$0x3FBB]  }
0x3d: {  	_ =	shalt  }
0x3e: {  	_ =	shalt  }
0x3f: {  	_ =	shalt  }
0x40: {  	_ =	shalt  }
0x41: {  	_ =	shalt  }
0x42: {  	_ =	shalt  }
0x43: {  	_ =	shalt  }
0x44: {  	_ =	shalt  }
0x45: {  	_ =	shalt  }
0x46: {  	_ =	shalt  }
0x47: {  	_ =	shalt  }
0x48: {  	_ =	shalt  }
0x49: {  	_ =	shalt  }
0x4a: {  	_ =	shalt  }
0x4b: {  	_ =	shalt  }
0x4c: {  	_ =	shalt  }
0x4d: {  	_ =	shalt  }
0x4e: {  	_ =	shalt  }
0x4f: {  	_ =	shalt  }
0x50: {  	_ =	shalt  }
0x51: {  	_ =	shalt  }
0x52: {  	_ =	shalt  }
0x53: {  	_ =	shalt  }
0x54: {  	_ =	shalt  }
0x55: {  	_ =	shalt  }
0x56: {  	_ =	shalt  }
0x57: {  	_ =	shalt  }
0x58: {  	_ =	shalt  }
0x59: {  	_ =	shalt  }
0x5a: {  	_ =	shalt  }
0x5b: {  	_ =	shalt  }
0x5c: {  	_ =	shalt  }
0x5d: {  	_ =	shalt  }
0x5e: {  	_ =	shalt  }
0x5f: {  	_ =	shalt  }
0x60: {  	_ =	shalt  }
0x61: {  	_ =	shalt  }
0x62: {  	_ =	shalt  }
0x63: {  	_ =	shalt  }
0x64: {  	_ =	shalt  }
0x65: {  	_ =	shalt  }
0x66: {  	_ =	shalt  }
0x67: {  	_ =	shalt  }
0x68: {  	_ =	shalt  }
0x69: {  	_ =	shalt  }
0x6a: {  	_ =	shalt  }
0x6b: {  	_ =	shalt  }
0x6c: {  	_ =	shalt  }
0x6d: {  	_ =	shalt  }
0x6e: {  	_ =	shalt  }
0x6f: {  	_ =	shalt  }
0x70: {  	_ =	shalt  }
0x71: {  	_ =	shalt  }
0x72: {  	_ =	shalt  }
0x73: {  	_ =	shalt  }
0x74: {  	_ =	shalt  }
0x75: {  	_ =	shalt  }
0x76: {  	_ =	shalt  }
0x77: {  	_ =	shalt  }
0x78: {  	_ =	shalt  }
0x79: {  	_ =	shalt  }
0x7a: {  	_ =	shalt  }
0x7b: {  	_ =	shalt  }
0x7c: {  	_ =	shalt  }
0x7d: {  	_ =	shalt  }
0x7e: {  	_ =	shalt  }
0x7f: {  	_ =	shalt  }
0x80: {  	_ =	shalt  }
0x81: {  	_ =	shalt  }
0x82: {  	_ =	shalt  }
0x83: {  	_ =	shalt  }
0x84: {  	_ =	shalt  }
0x85: {  	_ =	shalt  }
0x86: {  	_ =	shalt  }
0x87: {  	_ =	shalt  }
.Lfunc_end0:
.L_simem_size_0:
called_computation_lowered:
.L_overlay_start_0:
0x88: {  	s0 =	sld [smem:$0x3FD9]  }
0x89: {  	s1 =	sld [smem:$0x3FFE];
	_ =	sdelay $0x1  }
0x8a: {  	s2 =	srdreg.scid  }
0x8b: {  	s3 =	sand.u32 $0x1, s2  }
0x8c: {  	s21 =	sshll.u32 s3, $0xA;
	s0 =	sadd.s32 s1, s0  }
0x8d: {  	s0 =	sadd.s32 s0, s21  }
0x8e: {  	s22 =	simm.s32 $0x0;
	[smem:$0x3FC7] =	sst s0  }
0x8f: {  	[smem:$0xF] =	sst s22  }
0x90: {  	s0 =	sld [smem:$0x3FC9];
	(tm) =	ssettm $0x1  }
0x91: {  	s4 =	sld [smem:$0x3FFB];
	_ =	sdelay $0x3  }
0x92: {  	_ =	strace s4  }
0x93: {  	s4 =	sld [smem:$0x3FFC];
	_ =	sdelay $0x3  }
0x94: {  	_ =	strace s4  }
0x95: {  	s4 =	sld [smem:$0x3FFD];
	_ =	sdelay $0x3  }
0x96: {  	_ =	strace s4  }
0x97: {  	s23 =	simm.s32 $0x1B8B;
	_ =	strace $0x8FFFFFFF  }
0x98: {  	_ =	swait.ge [sflag:s23], $0x1  }
0x99: {  	s5 =	simm.s32 $0x1B8E;
	s7 =	simm.s32 $0x9;
	[sflag:s23] =	ssyncset.done $0x0  }
0x9a: {  	s8 =	simm.s32 $0x8000;
	s25 =	sshll.u32 s3, $0x10;
	[sflag:s23] =	ssyncadd.s32 $0xFFFFFFFF  }
0x9b: {  	s26 =	sor.u32 $0x8000, s25;
	s6 =	sadd.s32 s25, s0;
	[smem:$0x3FD2] =	sst s5  }
0x9c: {  	s0 =	sadd.s32 s26, s0;
	s24 =	sld [smem:$0x3FFE];
	_ =	strace $0x80000046  }
0x9d: {  	[spmem:s22], [sflag:s7] =	dma.local [hbm:s6], $0x8000  }
0x9e: {  	[spmem:s8], [sflag:s7] =	dma.local [hbm:s0], $0x8000  }
0x9f: {  	_ =	swait.ge [sflag:s7], $0x8000  }
0xa0: {  	[sflag:s7] =	ssyncset.done $0x0  }
0xa1: {  	s28 =	sadd.s32 $0x600, s24;
	[sflag:s7] =	ssyncadd.s32 $0xFFFF8000  }
0xa2: {  	s29 =	simm.s32 $0xA;
	s4 =	sadd.s32 s25, s28  }
0xa3: {  	[hbm:s4], [sflag:s29] =	dma.local [spmem:s22], $0x8000  }
0xa4: {  	_ =	swait.ge [sflag:s7], $0x8000  }
0xa5: {  	[sflag:s7] =	ssyncset.done $0x0  }
0xa6: {  	[sflag:s7] =	ssyncadd.s32 $0xFFFF8000  }
0xa7: {  	s0 =	sadd.s32 s26, s28  }
0xa8: {  	[hbm:s0], [sflag:s29] =	dma.local [spmem:s8], $0x8000  }
0xa9: {  	_ =	swait.ge [sflag:s29], $0x8000  }
0xaa: {  	[sflag:s29] =	ssyncset.done $0x0  }
0xab: {  	[sflag:s29] =	ssyncadd.s32 $0xFFFF8000;
	_ =	sdelay $0x2  }
0xac: {  	_ =	swait.ge [sflag:s29], $0x8000  }
0xad: {  	[sflag:s29] =	ssyncset.done $0x0  }
0xae: {  	[sflag:s29] =	ssyncadd.s32 $0xFFFF8000  }
0xaf: {  	_ =	strace $0x90000046  }
0xb0: {  	_ =	sfence  }
0xb1: {  	s30 =	sld [smem:$0x0];
	_ =	sdelay $0x2  }
0xb2: {  	s31 =	sshll.u32 s2, $0xD;
	s2 =	sshrl.u32 s2, $0x2  }
0xb3: {  	s1 =	sand.u32 $0x4000, s31;
	s0 =	sadd.s32 s2, s30  }
0xb4: {  	s1 =	sor.u32 s1, s3;
	s0 =	sshll.u32 s0, $0x11  }
0xb5: {  	s0 =	sor.u32 s0, s1  }
0xb6: {  	s0 =	sadd.s32 $0x8F2B, s0;
	(pc) =	sbr.abs _section_cstart, $3  }
0xb7: {  	[sflag:s0] =	ssyncadd.remote.s32 $0x1  }
0xb8: {  	_ =	strace $0x9FFFFFFF  }
0xb9: {  	(tm) =	ssettm $0x7FFFFFFF  }

</sc_bundles>
